<compile_context>
chip_gen: v7x
topology: tpu7x:2x2x1
jax: 0.10.2.dev20260603
libtpu: 0.0.44.dev20260713+nightly
codegen_flags: <defaults>
</compile_context>

<pallas_src>
import functools

import jax
import jax.numpy as jnp
from jax import lax
from jax.experimental import pallas as pl
from jax.experimental.pallas import tpu as pltpu
from jax.experimental.pallas import tpu_sc as plsc

_B = 1024
_L = 50
_H = 1024
_V = 100000

_NC, _NS = 1, 16
_NW = _NC * _NS
_BPW = _B // _NW


def _gather_body(idsT_hbm, maskT_hbm, emb_hbm, out_hbm, par_hbm,
                 idsT_v, maskT_v, tid_v, par_v, rows_v, sem, sem2):
    wid = lax.axis_index("s") * _NC + lax.axis_index("c")
    base = wid * _BPW
    cp_ids = pltpu.async_copy(idsT_hbm.at[wid], idsT_v, sem)
    cp_mask = pltpu.async_copy(maskT_hbm.at[wid], maskT_v, sem2)
    cp_ids.wait()
    cp_mask.wait()
    for c in range(_BPW // 16):
        sl = pl.ds(c * 16, 16)
        acc = lax.fori_loop(
            0, _L, lambda j, a: a + maskT_v[j, sl],
            jnp.zeros((16,), jnp.int32))
        idxv = jnp.maximum(acc - 1, 0)
        tidv = lax.fori_loop(
            0, _L, lambda j, t: t + jnp.where(idxv == j, idsT_v[j, sl], 0),
            jnp.zeros((16,), jnp.int32))
        tid_v[sl] = tidv >> 1
        par_v[sl] = tidv & 1
    emb32 = emb_hbm.bitcast(jnp.int32)
    cp_par = pltpu.async_copy(par_v, par_hbm.at[pl.ds(base, _BPW)], sem2)
    pltpu.async_copy(emb32.at[tid_v], rows_v, sem).wait()
    pltpu.sync_copy(rows_v, out_hbm.at[pl.ds(base, _BPW)])
    cp_par.wait()


@functools.lru_cache(maxsize=None)
def _make_gather():
    return pl.kernel(
        _gather_body,
        out_type=[
            jax.ShapeDtypeStruct((_B, _H), jnp.int32),
            jax.ShapeDtypeStruct((_B,), jnp.int32),
        ],
        mesh=plsc.VectorSubcoreMesh(core_axis_name="c", subcore_axis_name="s",
                                    num_cores=_NC, num_subcores=_NS),
        scratch_types=[
            pltpu.VMEM((_L, _BPW), jnp.int32),
            pltpu.VMEM((_L, _BPW), jnp.int32),
            pltpu.VMEM((_BPW,), jnp.int32),
            pltpu.VMEM((_BPW,), jnp.int32),
            pltpu.VMEM((_BPW, _H), jnp.int32),
            pltpu.SemaphoreType.DMA,
            pltpu.SemaphoreType.DMA,
        ],
    )


def _mlp_body(g_ref, par_ref, w1_ref, b1_ref, w2_ref, b2_ref, w3_ref, b3_ref,
              lab_ref, loss_ref, logits_ref):
    g = g_ref[...]
    lo = lax.bitcast_convert_type(g << 16, jnp.float32)
    hi = lax.bitcast_convert_type(g & jnp.int32(-65536), jnp.float32)
    p = par_ref[...] != 0
    seq = jnp.where(p, hi, lo).astype(jnp.bfloat16)
    z1 = lax.dot_general(seq, w1_ref[...], (((1,), (1,)), ((), ())),
                         preferred_element_type=jnp.float32)
    z1 = (z1 + b1_ref[...].astype(jnp.float32)[None, :]).astype(jnp.bfloat16)
    h1 = jnp.tanh(z1.astype(jnp.float32)).astype(jnp.bfloat16)
    z2 = lax.dot_general(h1, w2_ref[...], (((1,), (1,)), ((), ())),
                         preferred_element_type=jnp.float32)
    z2 = (z2 + b2_ref[...].astype(jnp.float32)[None, :]).astype(jnp.bfloat16)
    h2 = jnp.tanh(z2.astype(jnp.float32)).astype(jnp.float32)
    w3 = w3_ref[...].astype(jnp.float32)
    b3 = b3_ref[...].astype(jnp.float32)
    x = jnp.sum(h2 * w3[0][None, :], axis=1) + b3[0]
    x = x.astype(jnp.bfloat16).astype(jnp.float32)
    y = lab_ref[...]
    per = jnp.maximum(x, 0.0) - x * y + jnp.log(1.0 + jnp.exp(-jnp.abs(x)))
    loss_ref[0, 0] = jnp.mean(per)
    logits_ref[...] = x


def _mlp(g, par, W1p, b1, W2, b2, W3, b3, labels):
    return pl.pallas_call(
        _mlp_body,
        out_shape=[
            jax.ShapeDtypeStruct((1, 1), jnp.float32),
            jax.ShapeDtypeStruct((_B,), jnp.float32),
        ],
        out_specs=[
            pl.BlockSpec(memory_space=pltpu.SMEM),
            pl.BlockSpec(memory_space=pltpu.VMEM),
        ],
    )(g, par, W1p, b1, W2, b2, W3, b3, labels)


def kernel(input_ids, attention_mask, labels, emb_weight, W1, b1, W2, b2,
           W3, b3):
    idsT = input_ids.T.reshape(_L, _NW, _BPW).transpose(1, 0, 2)
    maskT = attention_mask.T.reshape(_L, _NW, _BPW).transpose(1, 0, 2)
    g, par = _make_gather()(idsT, maskT, emb_weight)
    loss2d, logits = _mlp(g, par.reshape(_B, 1), W1, b1, W2, b2, W3, b3,
                          labels)
    return loss2d[0, 0], logits

# --- scband reference (transcript-rebuilt; emitter-appended) ---
"""Pipeline reference for scband-qwen-embedding-reward-model-16484084483616 (READ-ONLY COPY).

The authoritative reference and input builder live on the scoring server;
editing this copy changes nothing except your own understanding.
"""

import jax, jax.numpy as jnp
import numpy as np

VOCAB = 100000
HIDDEN = 1024
B = 1024
L = 50

def setup_inputs(seed: int = 0) -> dict:
    key = jax.random.key(seed)
    k_ids, k_lab, k_emb, k_w1, k_w2, k_w3 = jax.random.split(key, 6)
    input_ids = jax.random.randint(k_ids, (B, L), 0, VOCAB, dtype=jnp.int64 if jax.config.read('jax_enable_x64') else jnp.int32).astype(jnp.int32)
    attention_mask = jnp.ones((B, L), dtype=jnp.int32)
    labels = jax.random.uniform(k_lab, (B,), dtype=jnp.float32)
    emb_weight = (jax.random.normal(k_emb, (VOCAB, HIDDEN), dtype=jnp.float32) * 0.02).astype(jnp.bfloat16)
    W1 = (jax.random.normal(k_w1, (HIDDEN, HIDDEN), dtype=jnp.float32) * (1.0 / np.sqrt(HIDDEN))).astype(jnp.bfloat16)
    b1 = jnp.zeros((HIDDEN,), dtype=jnp.bfloat16)
    W2 = (jax.random.normal(k_w2, (256, HIDDEN), dtype=jnp.float32) * (1.0 / np.sqrt(HIDDEN))).astype(jnp.bfloat16)
    b2 = jnp.zeros((256,), dtype=jnp.bfloat16)
    W3 = (jax.random.normal(k_w3, (1, 256), dtype=jnp.float32) * (1.0 / np.sqrt(256))).astype(jnp.bfloat16)
    b3 = jnp.zeros((1,), dtype=jnp.bfloat16)
    return {"input_ids": input_ids, "attention_mask": attention_mask, "labels": labels,
            "emb_weight": emb_weight, "W1": W1, "b1": b1, "W2": W2, "b2": b2, "W3": W3, "b3": b3}

def reference(input_ids, attention_mask, labels, emb_weight, W1, b1, W2, b2, W3, b3):
    # frozen embedding lookup (torch: with no_grad)
    token_emb = jnp.take(emb_weight, input_ids, axis=0)  # [B, L, H], bf16
    token_emb = token_emb.astype(jnp.float32)
    # pooling == 'last'
    idx = jnp.clip(attention_mask.sum(axis=1) - 1, 0, None)
    seq_emb = token_emb[jnp.arange(token_emb.shape[0]), idx]  # [B, H]
    # two-layer head in bf16
    h = seq_emb.astype(jnp.bfloat16)
    h = jnp.tanh(h @ W1.T + b1)
    h = jnp.tanh(h @ W2.T + b2)
    logits = (h @ W3.T + b3).squeeze(-1).astype(jnp.float32)  # [B]
    # BCEWithLogitsLoss (mean reduction), numerically stable form
    x = logits
    y = labels
    loss = jnp.mean(jnp.maximum(x, 0.0) - x * y + jnp.log1p(jnp.exp(-jnp.abs(x))))
    return loss, logits

if __name__ == "__main__":
    import jax
    _d = setup_inputs()
    print(jax.jit(kernel)(*tuple(_d.values())))

</pallas_src>

<mosaic_0001>
#map = affine_map<(d0, d1) -> (0, 0, 0)>
#map1 = affine_map<(d0, d1) -> (0, 0)>
#map2 = affine_map<(d0, d1) -> (0)>
module attributes {stable_mosaic.version = 14 : i64} {
  func.func @_gather_body(%arg0: i32, %arg1: i32, %arg2: memref<16x50x64xi32, #tpu.memory_space<hbm>>, %arg3: memref<16x50x64xi32, #tpu.memory_space<hbm>>, %arg4: memref<100000x1024xbf16, #tpu.memory_space<hbm>>, %arg5: memref<1024x1024xi32, #tpu.memory_space<hbm>>, %arg6: memref<1024xi32, #tpu.memory_space<hbm>>, %arg7: memref<50x64xi32, #tpu.memory_space<vmem>>, %arg8: memref<50x64xi32, #tpu.memory_space<vmem>>, %arg9: memref<64xi32, #tpu.memory_space<vmem>>, %arg10: memref<64xi32, #tpu.memory_space<vmem>>, %arg11: memref<64x1024xi32, #tpu.memory_space<vmem>>, %arg12: memref<!tpu.dma_semaphore, #tpu.memory_space<semaphore_mem>>, %arg13: memref<!tpu.dma_semaphore, #tpu.memory_space<semaphore_mem>>) attributes {dimension_semantics = [#tpu.dimension_semantics<core_parallel>, #tpu.dimension_semantics<subcore_parallel>], iteration_bounds = array<i64: 1, 16>, scalar_prefetch = 0 : i64, scratch_operands = 7 : i64, tpu.core_type = #tpu.core_type<sc_vector_subcore>, window_params = [{transform_indices = #map}, {transform_indices = #map}, {transform_indices = #map1}, {transform_indices = #map1}, {transform_indices = #map2}]} {
    %mul3A = arith.constant 1 : i32
    %mul3A_0 = arith.muli %arg1, %mul3A : i32
    %add3A = arith.addi %mul3A_0, %arg0 : i32
    %mul3A_1 = arith.constant 64 : i32
    %mul3A_2 = arith.muli %add3A, %mul3A_1 : i32
    %dma_start3A = arith.constant 0 : i32
    %dma_start3A_3 = arith.constant 0 : i32
    %dma_start3A_4 = tpu.memref_slice %arg2[%add3A, %dma_start3A, %dma_start3A_3] : memref<16x50x64xi32, #tpu.memory_space<hbm>> -> memref<1x50x64xi32, #tpu.memory_space<hbm>>
    %dma_start3A_5 = tpu.memref_squeeze %dma_start3A_4 : memref<1x50x64xi32, #tpu.memory_space<hbm>> -> memref<50x64xi32, #tpu.memory_space<hbm>>
    %dma_start3A_6 = arith.constant 0 : i32
    %dma_start3A_7 = arith.constant 0 : i32
    %dma_start3A_8 = tpu.memref_slice %arg2[%add3A, %dma_start3A_6, %dma_start3A_7] : memref<16x50x64xi32, #tpu.memory_space<hbm>> -> memref<1x50x64xi32, #tpu.memory_space<hbm>>
    %dma_start3A_9 = tpu.memref_squeeze %dma_start3A_8 : memref<1x50x64xi32, #tpu.memory_space<hbm>> -> memref<50x64xi32, #tpu.memory_space<hbm>>
    tpu.enqueue_dma source(%dma_start3A_9 : memref<50x64xi32, #tpu.memory_space<hbm>>) target(%arg7 : memref<50x64xi32, #tpu.memory_space<vmem>>) target_semaphore(%arg12 : memref<!tpu.dma_semaphore, #tpu.memory_space<semaphore_mem>>)
    %dma_start3A_10 = arith.constant 0 : i32
    %dma_start3A_11 = arith.constant 0 : i32
    %dma_start3A_12 = tpu.memref_slice %arg3[%add3A, %dma_start3A_10, %dma_start3A_11] : memref<16x50x64xi32, #tpu.memory_space<hbm>> -> memref<1x50x64xi32, #tpu.memory_space<hbm>>
    %dma_start3A_13 = tpu.memref_squeeze %dma_start3A_12 : memref<1x50x64xi32, #tpu.memory_space<hbm>> -> memref<50x64xi32, #tpu.memory_space<hbm>>
    %dma_start3A_14 = arith.constant 0 : i32
    %dma_start3A_15 = arith.constant 0 : i32
    %dma_start3A_16 = tpu.memref_slice %arg3[%add3A, %dma_start3A_14, %dma_start3A_15] : memref<16x50x64xi32, #tpu.memory_space<hbm>> -> memref<1x50x64xi32, #tpu.memory_space<hbm>>
    %dma_start3A_17 = tpu.memref_squeeze %dma_start3A_16 : memref<1x50x64xi32, #tpu.memory_space<hbm>> -> memref<50x64xi32, #tpu.memory_space<hbm>>
    tpu.enqueue_dma source(%dma_start3A_17 : memref<50x64xi32, #tpu.memory_space<hbm>>) target(%arg8 : memref<50x64xi32, #tpu.memory_space<vmem>>) target_semaphore(%arg13 : memref<!tpu.dma_semaphore, #tpu.memory_space<semaphore_mem>>)
    %dma_wait3A = arith.constant 0 : i32
    %dma_wait3A_18 = arith.constant 0 : i32
    %dma_wait3A_19 = tpu.memref_slice %arg2[%add3A, %dma_wait3A, %dma_wait3A_18] : memref<16x50x64xi32, #tpu.memory_space<hbm>> -> memref<1x50x64xi32, #tpu.memory_space<hbm>>
    %dma_wait3A_20 = tpu.memref_squeeze %dma_wait3A_19 : memref<1x50x64xi32, #tpu.memory_space<hbm>> -> memref<50x64xi32, #tpu.memory_space<hbm>>
    %dma_wait3A_21 = arith.constant 0 : i32
    %dma_wait3A_22 = arith.constant 0 : i32
    %dma_wait3A_23 = tpu.memref_slice %arg2[%add3A, %dma_wait3A_21, %dma_wait3A_22] : memref<16x50x64xi32, #tpu.memory_space<hbm>> -> memref<1x50x64xi32, #tpu.memory_space<hbm>>
    %dma_wait3A_24 = tpu.memref_squeeze %dma_wait3A_23 : memref<1x50x64xi32, #tpu.memory_space<hbm>> -> memref<50x64xi32, #tpu.memory_space<hbm>>
    tpu.wait_dma2 semaphore(%arg12 : memref<!tpu.dma_semaphore, #tpu.memory_space<semaphore_mem>>) src(%dma_wait3A_24 : memref<50x64xi32, #tpu.memory_space<hbm>>) dst(%arg7 : memref<50x64xi32, #tpu.memory_space<vmem>>)
    %dma_wait3A_25 = arith.constant 0 : i32
    %dma_wait3A_26 = arith.constant 0 : i32
    %dma_wait3A_27 = tpu.memref_slice %arg3[%add3A, %dma_wait3A_25, %dma_wait3A_26] : memref<16x50x64xi32, #tpu.memory_space<hbm>> -> memref<1x50x64xi32, #tpu.memory_space<hbm>>
    %dma_wait3A_28 = tpu.memref_squeeze %dma_wait3A_27 : memref<1x50x64xi32, #tpu.memory_space<hbm>> -> memref<50x64xi32, #tpu.memory_space<hbm>>
    %dma_wait3A_29 = arith.constant 0 : i32
    %dma_wait3A_30 = arith.constant 0 : i32
    %dma_wait3A_31 = tpu.memref_slice %arg3[%add3A, %dma_wait3A_29, %dma_wait3A_30] : memref<16x50x64xi32, #tpu.memory_space<hbm>> -> memref<1x50x64xi32, #tpu.memory_space<hbm>>
    %dma_wait3A_32 = tpu.memref_squeeze %dma_wait3A_31 : memref<1x50x64xi32, #tpu.memory_space<hbm>> -> memref<50x64xi32, #tpu.memory_space<hbm>>
    tpu.wait_dma2 semaphore(%arg13 : memref<!tpu.dma_semaphore, #tpu.memory_space<semaphore_mem>>) src(%dma_wait3A_32 : memref<50x64xi32, #tpu.memory_space<hbm>>) dst(%arg8 : memref<50x64xi32, #tpu.memory_space<vmem>>)
    %broadcast_in_dim3A = arith.constant 0 : i32
    %broadcast_in_dim3A_33 = vector.broadcast %broadcast_in_dim3A : i32 to vector<16xi32>
    %scan3A = arith.constant 0 : i32
    %scan3A_34 = arith.constant 50 : i32
    %scan3A_35 = arith.addi %scan3A, %scan3A_34 : i32
    %scan3A_36 = arith.constant 1 : i32
    %scan3A_37 = scf.for %scan3A_182 = %scan3A to %scan3A_35 step %scan3A_36 iter_args(%scan3A_183 = %broadcast_in_dim3A_33) -> (vector<16xi32>)  : i32 {
      %get3A = arith.index_cast %scan3A_182 : i32 to index
      %get3A_184 = arith.constant 0 : index
      %get3A_185 = tpu.vector_load %arg8[%get3A, %get3A_184] {strides = array<i32>} : memref<50x64xi32, #tpu.memory_space<vmem>>, vector<1x16xi32>,
      %get3A_186 = vector.shape_cast %get3A_185 : vector<1x16xi32> to vector<16xi32>
      %add3A_187 = arith.addi %scan3A_183, %get3A_186 : vector<16xi32>
      scf.yield %add3A_187 : vector<16xi32>
    }
    %scan3A_38 = arith.constant 50 : i32
    %sub3A = arith.constant 1 : i32
    %sub3A_39 = vector.broadcast %sub3A : i32 to vector<16xi32>
    %sub3A_40 = arith.subi %scan3A_37, %sub3A_39 : vector<16xi32>
    %max3A = arith.constant 0 : i32
    %max3A_41 = vector.broadcast %max3A : i32 to vector<16xi32>
    %max3A_42 = arith.maxsi %sub3A_40, %max3A_41 : vector<16xi32>
    %broadcast_in_dim3A_43 = arith.constant 0 : i32
    %broadcast_in_dim3A_44 = vector.broadcast %broadcast_in_dim3A_43 : i32 to vector<16xi32>
    %scan3A_45 = arith.constant 0 : i32
    %scan3A_46 = arith.constant 50 : i32
    %scan3A_47 = arith.addi %scan3A_45, %scan3A_46 : i32
    %scan3A_48 = arith.constant 1 : i32
    %scan3A_49 = scf.for %scan3A_182 = %scan3A_45 to %scan3A_47 step %scan3A_48 iter_args(%scan3A_183 = %broadcast_in_dim3A_44) -> (vector<16xi32>)  : i32 {
      %eq3A = vector.broadcast %scan3A_182 : i32 to vector<16xi32>
      %eq3A_184 = arith.cmpi eq, %max3A_42, %eq3A : vector<16xi32>
      %get3A = arith.index_cast %scan3A_182 : i32 to index
      %get3A_185 = arith.constant 0 : index
      %get3A_186 = tpu.vector_load %arg7[%get3A, %get3A_185] {strides = array<i32>} : memref<50x64xi32, #tpu.memory_space<vmem>>, vector<1x16xi32>,
      %get3A_187 = vector.shape_cast %get3A_186 : vector<1x16xi32> to vector<16xi32>
      %jit3A = arith.constant 0 : i32
      %broadcast_in_dim3A_188 = vector.broadcast %jit3A : i32 to vector<16xi32>
      %select_n3A = arith.select %eq3A_184, %get3A_187, %broadcast_in_dim3A_188 : vector<16xi1>, vector<16xi32>
      %add3A_189 = arith.addi %scan3A_183, %select_n3A : vector<16xi32>
      scf.yield %add3A_189 : vector<16xi32>
    }
    %scan3A_50 = arith.constant 50 : i32
    %shift_right_arithmetic3A = arith.constant 1 : i32
    %shift_right_arithmetic3A_51 = vector.broadcast %shift_right_arithmetic3A : i32 to vector<16xi32>
    %shift_right_arithmetic3A_52 = arith.shrsi %scan3A_49, %shift_right_arithmetic3A_51 : vector<16xi32>
    %swap3A = arith.constant 0 : index
    %swap3A_53 = tpu.vector_load %arg9[%swap3A] {strides = array<i32>} : memref<64xi32, #tpu.memory_space<vmem>>, vector<16xi32>,
    %swap3A_54 = vector.shape_cast %swap3A_53 : vector<16xi32> to vector<16xi32>
    %swap3A_55 = vector.shape_cast %shift_right_arithmetic3A_52 : vector<16xi32> to vector<16xi32>
    tpu.vector_store %arg9[%swap3A], %swap3A_55 {strides = array<i32>} : memref<64xi32, #tpu.memory_space<vmem>>, vector<16xi32>,
    %and3A = arith.constant 1 : i32
    %and3A_56 = vector.broadcast %and3A : i32 to vector<16xi32>
    %and3A_57 = arith.andi %scan3A_49, %and3A_56 : vector<16xi32>
    %swap3A_58 = arith.constant 0 : index
    %swap3A_59 = tpu.vector_load %arg10[%swap3A_58] {strides = array<i32>} : memref<64xi32, #tpu.memory_space<vmem>>, vector<16xi32>,
    %swap3A_60 = vector.shape_cast %swap3A_59 : vector<16xi32> to vector<16xi32>
    %swap3A_61 = vector.shape_cast %and3A_57 : vector<16xi32> to vector<16xi32>
    tpu.vector_store %arg10[%swap3A_58], %swap3A_61 {strides = array<i32>} : memref<64xi32, #tpu.memory_space<vmem>>, vector<16xi32>,
    %broadcast_in_dim3A_62 = arith.constant 0 : i32
    %broadcast_in_dim3A_63 = vector.broadcast %broadcast_in_dim3A_62 : i32 to vector<16xi32>
    %scan3A_64 = arith.constant 0 : i32
    %scan3A_65 = arith.constant 50 : i32
    %scan3A_66 = arith.addi %scan3A_64, %scan3A_65 : i32
    %scan3A_67 = arith.constant 1 : i32
    %scan3A_68 = scf.for %scan3A_182 = %scan3A_64 to %scan3A_66 step %scan3A_67 iter_args(%scan3A_183 = %broadcast_in_dim3A_63) -> (vector<16xi32>)  : i32 {
      %get3A = arith.index_cast %scan3A_182 : i32 to index
      %get3A_184 = arith.constant 16 : index
      %get3A_185 = tpu.vector_load %arg8[%get3A, %get3A_184] {strides = array<i32>} : memref<50x64xi32, #tpu.memory_space<vmem>>, vector<1x16xi32>,
      %get3A_186 = vector.shape_cast %get3A_185 : vector<1x16xi32> to vector<16xi32>
      %add3A_187 = arith.addi %scan3A_183, %get3A_186 : vector<16xi32>
      scf.yield %add3A_187 : vector<16xi32>
    }
    %scan3A_69 = arith.constant 50 : i32
    %sub3A_70 = arith.constant 1 : i32
    %sub3A_71 = vector.broadcast %sub3A_70 : i32 to vector<16xi32>
    %sub3A_72 = arith.subi %scan3A_68, %sub3A_71 : vector<16xi32>
    %max3A_73 = arith.constant 0 : i32
    %max3A_74 = vector.broadcast %max3A_73 : i32 to vector<16xi32>
    %max3A_75 = arith.maxsi %sub3A_72, %max3A_74 : vector<16xi32>
    %broadcast_in_dim3A_76 = arith.constant 0 : i32
    %broadcast_in_dim3A_77 = vector.broadcast %broadcast_in_dim3A_76 : i32 to vector<16xi32>
    %scan3A_78 = arith.constant 0 : i32
    %scan3A_79 = arith.constant 50 : i32
    %scan3A_80 = arith.addi %scan3A_78, %scan3A_79 : i32
    %scan3A_81 = arith.constant 1 : i32
    %scan3A_82 = scf.for %scan3A_182 = %scan3A_78 to %scan3A_80 step %scan3A_81 iter_args(%scan3A_183 = %broadcast_in_dim3A_77) -> (vector<16xi32>)  : i32 {
      %eq3A = vector.broadcast %scan3A_182 : i32 to vector<16xi32>
      %eq3A_184 = arith.cmpi eq, %max3A_75, %eq3A : vector<16xi32>
      %get3A = arith.index_cast %scan3A_182 : i32 to index
      %get3A_185 = arith.constant 16 : index
      %get3A_186 = tpu.vector_load %arg7[%get3A, %get3A_185] {strides = array<i32>} : memref<50x64xi32, #tpu.memory_space<vmem>>, vector<1x16xi32>,
      %get3A_187 = vector.shape_cast %get3A_186 : vector<1x16xi32> to vector<16xi32>
      %jit3A = arith.constant 0 : i32
      %broadcast_in_dim3A_188 = vector.broadcast %jit3A : i32 to vector<16xi32>
      %select_n3A = arith.select %eq3A_184, %get3A_187, %broadcast_in_dim3A_188 : vector<16xi1>, vector<16xi32>
      %add3A_189 = arith.addi %scan3A_183, %select_n3A : vector<16xi32>
      scf.yield %add3A_189 : vector<16xi32>
    }
    %scan3A_83 = arith.constant 50 : i32
    %shift_right_arithmetic3A_84 = arith.constant 1 : i32
    %shift_right_arithmetic3A_85 = vector.broadcast %shift_right_arithmetic3A_84 : i32 to vector<16xi32>
    %shift_right_arithmetic3A_86 = arith.shrsi %scan3A_82, %shift_right_arithmetic3A_85 : vector<16xi32>
    %swap3A_87 = arith.constant 16 : index
    %swap3A_88 = tpu.vector_load %arg9[%swap3A_87] {strides = array<i32>} : memref<64xi32, #tpu.memory_space<vmem>>, vector<16xi32>,
    %swap3A_89 = vector.shape_cast %swap3A_88 : vector<16xi32> to vector<16xi32>
    %swap3A_90 = vector.shape_cast %shift_right_arithmetic3A_86 : vector<16xi32> to vector<16xi32>
    tpu.vector_store %arg9[%swap3A_87], %swap3A_90 {strides = array<i32>} : memref<64xi32, #tpu.memory_space<vmem>>, vector<16xi32>,
    %and3A_91 = arith.constant 1 : i32
    %and3A_92 = vector.broadcast %and3A_91 : i32 to vector<16xi32>
    %and3A_93 = arith.andi %scan3A_82, %and3A_92 : vector<16xi32>
    %swap3A_94 = arith.constant 16 : index
    %swap3A_95 = tpu.vector_load %arg10[%swap3A_94] {strides = array<i32>} : memref<64xi32, #tpu.memory_space<vmem>>, vector<16xi32>,
    %swap3A_96 = vector.shape_cast %swap3A_95 : vector<16xi32> to vector<16xi32>
    %swap3A_97 = vector.shape_cast %and3A_93 : vector<16xi32> to vector<16xi32>
    tpu.vector_store %arg10[%swap3A_94], %swap3A_97 {strides = array<i32>} : memref<64xi32, #tpu.memory_space<vmem>>, vector<16xi32>,
    %broadcast_in_dim3A_98 = arith.constant 0 : i32
    %broadcast_in_dim3A_99 = vector.broadcast %broadcast_in_dim3A_98 : i32 to vector<16xi32>
    %scan3A_100 = arith.constant 0 : i32
    %scan3A_101 = arith.constant 50 : i32
    %scan3A_102 = arith.addi %scan3A_100, %scan3A_101 : i32
    %scan3A_103 = arith.constant 1 : i32
    %scan3A_104 = scf.for %scan3A_182 = %scan3A_100 to %scan3A_102 step %scan3A_103 iter_args(%scan3A_183 = %broadcast_in_dim3A_99) -> (vector<16xi32>)  : i32 {
      %get3A = arith.index_cast %scan3A_182 : i32 to index
      %get3A_184 = arith.constant 32 : index
      %get3A_185 = tpu.vector_load %arg8[%get3A, %get3A_184] {strides = array<i32>} : memref<50x64xi32, #tpu.memory_space<vmem>>, vector<1x16xi32>,
      %get3A_186 = vector.shape_cast %get3A_185 : vector<1x16xi32> to vector<16xi32>
      %add3A_187 = arith.addi %scan3A_183, %get3A_186 : vector<16xi32>
      scf.yield %add3A_187 : vector<16xi32>
    }
    %scan3A_105 = arith.constant 50 : i32
    %sub3A_106 = arith.constant 1 : i32
    %sub3A_107 = vector.broadcast %sub3A_106 : i32 to vector<16xi32>
    %sub3A_108 = arith.subi %scan3A_104, %sub3A_107 : vector<16xi32>
    %max3A_109 = arith.constant 0 : i32
    %max3A_110 = vector.broadcast %max3A_109 : i32 to vector<16xi32>
    %max3A_111 = arith.maxsi %sub3A_108, %max3A_110 : vector<16xi32>
    %broadcast_in_dim3A_112 = arith.constant 0 : i32
    %broadcast_in_dim3A_113 = vector.broadcast %broadcast_in_dim3A_112 : i32 to vector<16xi32>
    %scan3A_114 = arith.constant 0 : i32
    %scan3A_115 = arith.constant 50 : i32
    %scan3A_116 = arith.addi %scan3A_114, %scan3A_115 : i32
    %scan3A_117 = arith.constant 1 : i32
    %scan3A_118 = scf.for %scan3A_182 = %scan3A_114 to %scan3A_116 step %scan3A_117 iter_args(%scan3A_183 = %broadcast_in_dim3A_113) -> (vector<16xi32>)  : i32 {
      %eq3A = vector.broadcast %scan3A_182 : i32 to vector<16xi32>
      %eq3A_184 = arith.cmpi eq, %max3A_111, %eq3A : vector<16xi32>
      %get3A = arith.index_cast %scan3A_182 : i32 to index
      %get3A_185 = arith.constant 32 : index
      %get3A_186 = tpu.vector_load %arg7[%get3A, %get3A_185] {strides = array<i32>} : memref<50x64xi32, #tpu.memory_space<vmem>>, vector<1x16xi32>,
      %get3A_187 = vector.shape_cast %get3A_186 : vector<1x16xi32> to vector<16xi32>
      %jit3A = arith.constant 0 : i32
      %broadcast_in_dim3A_188 = vector.broadcast %jit3A : i32 to vector<16xi32>
      %select_n3A = arith.select %eq3A_184, %get3A_187, %broadcast_in_dim3A_188 : vector<16xi1>, vector<16xi32>
      %add3A_189 = arith.addi %scan3A_183, %select_n3A : vector<16xi32>
      scf.yield %add3A_189 : vector<16xi32>
    }
    %scan3A_119 = arith.constant 50 : i32
    %shift_right_arithmetic3A_120 = arith.constant 1 : i32
    %shift_right_arithmetic3A_121 = vector.broadcast %shift_right_arithmetic3A_120 : i32 to vector<16xi32>
    %shift_right_arithmetic3A_122 = arith.shrsi %scan3A_118, %shift_right_arithmetic3A_121 : vector<16xi32>
    %swap3A_123 = arith.constant 32 : index
    %swap3A_124 = tpu.vector_load %arg9[%swap3A_123] {strides = array<i32>} : memref<64xi32, #tpu.memory_space<vmem>>, vector<16xi32>,
    %swap3A_125 = vector.shape_cast %swap3A_124 : vector<16xi32> to vector<16xi32>
    %swap3A_126 = vector.shape_cast %shift_right_arithmetic3A_122 : vector<16xi32> to vector<16xi32>
    tpu.vector_store %arg9[%swap3A_123], %swap3A_126 {strides = array<i32>} : memref<64xi32, #tpu.memory_space<vmem>>, vector<16xi32>,
    %and3A_127 = arith.constant 1 : i32
    %and3A_128 = vector.broadcast %and3A_127 : i32 to vector<16xi32>
    %and3A_129 = arith.andi %scan3A_118, %and3A_128 : vector<16xi32>
    %swap3A_130 = arith.constant 32 : index
    %swap3A_131 = tpu.vector_load %arg10[%swap3A_130] {strides = array<i32>} : memref<64xi32, #tpu.memory_space<vmem>>, vector<16xi32>,
    %swap3A_132 = vector.shape_cast %swap3A_131 : vector<16xi32> to vector<16xi32>
    %swap3A_133 = vector.shape_cast %and3A_129 : vector<16xi32> to vector<16xi32>
    tpu.vector_store %arg10[%swap3A_130], %swap3A_133 {strides = array<i32>} : memref<64xi32, #tpu.memory_space<vmem>>, vector<16xi32>,
    %broadcast_in_dim3A_134 = arith.constant 0 : i32
    %broadcast_in_dim3A_135 = vector.broadcast %broadcast_in_dim3A_134 : i32 to vector<16xi32>
    %scan3A_136 = arith.constant 0 : i32
    %scan3A_137 = arith.constant 50 : i32
    %scan3A_138 = arith.addi %scan3A_136, %scan3A_137 : i32
    %scan3A_139 = arith.constant 1 : i32
    %scan3A_140 = scf.for %scan3A_182 = %scan3A_136 to %scan3A_138 step %scan3A_139 iter_args(%scan3A_183 = %broadcast_in_dim3A_135) -> (vector<16xi32>)  : i32 {
      %get3A = arith.index_cast %scan3A_182 : i32 to index
      %get3A_184 = arith.constant 48 : index
      %get3A_185 = tpu.vector_load %arg8[%get3A, %get3A_184] {strides = array<i32>} : memref<50x64xi32, #tpu.memory_space<vmem>>, vector<1x16xi32>,
      %get3A_186 = vector.shape_cast %get3A_185 : vector<1x16xi32> to vector<16xi32>
      %add3A_187 = arith.addi %scan3A_183, %get3A_186 : vector<16xi32>
      scf.yield %add3A_187 : vector<16xi32>
    }
    %scan3A_141 = arith.constant 50 : i32
    %sub3A_142 = arith.constant 1 : i32
    %sub3A_143 = vector.broadcast %sub3A_142 : i32 to vector<16xi32>
    %sub3A_144 = arith.subi %scan3A_140, %sub3A_143 : vector<16xi32>
    %max3A_145 = arith.constant 0 : i32
    %max3A_146 = vector.broadcast %max3A_145 : i32 to vector<16xi32>
    %max3A_147 = arith.maxsi %sub3A_144, %max3A_146 : vector<16xi32>
    %broadcast_in_dim3A_148 = arith.constant 0 : i32
    %broadcast_in_dim3A_149 = vector.broadcast %broadcast_in_dim3A_148 : i32 to vector<16xi32>
    %scan3A_150 = arith.constant 0 : i32
    %scan3A_151 = arith.constant 50 : i32
    %scan3A_152 = arith.addi %scan3A_150, %scan3A_151 : i32
    %scan3A_153 = arith.constant 1 : i32
    %scan3A_154 = scf.for %scan3A_182 = %scan3A_150 to %scan3A_152 step %scan3A_153 iter_args(%scan3A_183 = %broadcast_in_dim3A_149) -> (vector<16xi32>)  : i32 {
      %eq3A = vector.broadcast %scan3A_182 : i32 to vector<16xi32>
      %eq3A_184 = arith.cmpi eq, %max3A_147, %eq3A : vector<16xi32>
      %get3A = arith.index_cast %scan3A_182 : i32 to index
      %get3A_185 = arith.constant 48 : index
      %get3A_186 = tpu.vector_load %arg7[%get3A, %get3A_185] {strides = array<i32>} : memref<50x64xi32, #tpu.memory_space<vmem>>, vector<1x16xi32>,
      %get3A_187 = vector.shape_cast %get3A_186 : vector<1x16xi32> to vector<16xi32>
      %jit3A = arith.constant 0 : i32
      %broadcast_in_dim3A_188 = vector.broadcast %jit3A : i32 to vector<16xi32>
      %select_n3A = arith.select %eq3A_184, %get3A_187, %broadcast_in_dim3A_188 : vector<16xi1>, vector<16xi32>
      %add3A_189 = arith.addi %scan3A_183, %select_n3A : vector<16xi32>
      scf.yield %add3A_189 : vector<16xi32>
    }
    %scan3A_155 = arith.constant 50 : i32
    %shift_right_arithmetic3A_156 = arith.constant 1 : i32
    %shift_right_arithmetic3A_157 = vector.broadcast %shift_right_arithmetic3A_156 : i32 to vector<16xi32>
    %shift_right_arithmetic3A_158 = arith.shrsi %scan3A_154, %shift_right_arithmetic3A_157 : vector<16xi32>
    %swap3A_159 = arith.constant 48 : index
    %swap3A_160 = tpu.vector_load %arg9[%swap3A_159] {strides = array<i32>} : memref<64xi32, #tpu.memory_space<vmem>>, vector<16xi32>,
    %swap3A_161 = vector.shape_cast %swap3A_160 : vector<16xi32> to vector<16xi32>
    %swap3A_162 = vector.shape_cast %shift_right_arithmetic3A_158 : vector<16xi32> to vector<16xi32>
    tpu.vector_store %arg9[%swap3A_159], %swap3A_162 {strides = array<i32>} : memref<64xi32, #tpu.memory_space<vmem>>, vector<16xi32>,
    %and3A_163 = arith.constant 1 : i32
    %and3A_164 = vector.broadcast %and3A_163 : i32 to vector<16xi32>
    %and3A_165 = arith.andi %scan3A_154, %and3A_164 : vector<16xi32>
    %swap3A_166 = arith.constant 48 : index
    %swap3A_167 = tpu.vector_load %arg10[%swap3A_166] {strides = array<i32>} : memref<64xi32, #tpu.memory_space<vmem>>, vector<16xi32>,
    %swap3A_168 = vector.shape_cast %swap3A_167 : vector<16xi32> to vector<16xi32>
    %swap3A_169 = vector.shape_cast %and3A_165 : vector<16xi32> to vector<16xi32>
    tpu.vector_store %arg10[%swap3A_166], %swap3A_169 {strides = array<i32>} : memref<64xi32, #tpu.memory_space<vmem>>, vector<16xi32>,
    %dma_start3A_170 = tpu.memref_slice %arg6[%mul3A_2] : memref<1024xi32, #tpu.memory_space<hbm>> -> memref<64xi32, #tpu.memory_space<hbm>>
    %dma_start3A_171 = tpu.memref_slice %arg6[%mul3A_2] : memref<1024xi32, #tpu.memory_space<hbm>> -> memref<64xi32, #tpu.memory_space<hbm>>
    tpu.enqueue_dma source(%arg10 : memref<64xi32, #tpu.memory_space<vmem>>) target(%dma_start3A_171 : memref<64xi32, #tpu.memory_space<hbm>>) target_semaphore(%arg13 : memref<!tpu.dma_semaphore, #tpu.memory_space<semaphore_mem>>)
    %dma_start3A_172 = tpu.memref_bitcast %arg4 : memref<100000x1024xbf16, #tpu.memory_space<hbm>> -> memref<50000x1024xi32, #tpu.memory_space<hbm>>
    %dma_start3A_173 = arith.constant 0 : i32
    %dma_start3A_174 = arith.constant 0 : i32
    %dma_start3A_175 = tpu.memref_slice %dma_start3A_172[%dma_start3A_173, %dma_start3A_174] : memref<50000x1024xi32, #tpu.memory_space<hbm>> -> memref<50000x1024xi32, #tpu.memory_space<hbm>>
    tpu.enqueue_indirect_dma source(%dma_start3A_175 : memref<50000x1024xi32, #tpu.memory_space<hbm>>) target(%arg11 : memref<64x1024xi32, #tpu.memory_space<vmem>>) offsets(%arg9 : memref<64xi32, #tpu.memory_space<vmem>>) semaphore(%arg12 : memref<!tpu.dma_semaphore, #tpu.memory_space<semaphore_mem>>)
    %dma_wait3A_176 = tpu.memref_bitcast %arg4 : memref<100000x1024xbf16, #tpu.memory_space<hbm>> -> memref<50000x1024xi32, #tpu.memory_space<hbm>>
    %dma_wait3A_177 = arith.constant 0 : i32
    %dma_wait3A_178 = arith.constant 0 : i32
    %dma_wait3A_179 = tpu.memref_slice %dma_wait3A_176[%dma_wait3A_177, %dma_wait3A_178] : memref<50000x1024xi32, #tpu.memory_space<hbm>> -> memref<50000x1024xi32, #tpu.memory_space<hbm>>
    tpu.wait_indirect_dma semaphore(%arg12 : memref<!tpu.dma_semaphore, #tpu.memory_space<semaphore_mem>>) src(%dma_wait3A_179 : memref<50000x1024xi32, #tpu.memory_space<hbm>>) dst(%arg11 : memref<64x1024xi32, #tpu.memory_space<vmem>>)
    "tpu.region"() ({
      %run_scoped3A = tpu.sem_alloc : memref<!tpu.dma_semaphore, #tpu.memory_space<semaphore_mem>>
      %dma_start3A_182 = arith.constant 0 : i32
      %dma_start3A_183 = tpu.memref_slice %arg5[%mul3A_2, %dma_start3A_182] : memref<1024x1024xi32, #tpu.memory_space<hbm>> -> memref<64x1024xi32, #tpu.memory_space<hbm>>
      %dma_start3A_184 = arith.constant 0 : i32
      %dma_start3A_185 = tpu.memref_slice %arg5[%mul3A_2, %dma_start3A_184] : memref<1024x1024xi32, #tpu.memory_space<hbm>> -> memref<64x1024xi32, #tpu.memory_space<hbm>>
      tpu.enqueue_dma source(%arg11 : memref<64x1024xi32, #tpu.memory_space<vmem>>) target(%dma_start3A_185 : memref<64x1024xi32, #tpu.memory_space<hbm>>) target_semaphore(%run_scoped3A : memref<!tpu.dma_semaphore, #tpu.memory_space<semaphore_mem>>)
      %dma_wait3A_186 = arith.constant 0 : i32
      %dma_wait3A_187 = tpu.memref_slice %arg5[%mul3A_2, %dma_wait3A_186] : memref<1024x1024xi32, #tpu.memory_space<hbm>> -> memref<64x1024xi32, #tpu.memory_space<hbm>>
      %dma_wait3A_188 = arith.constant 0 : i32
      %dma_wait3A_189 = tpu.memref_slice %arg5[%mul3A_2, %dma_wait3A_188] : memref<1024x1024xi32, #tpu.memory_space<hbm>> -> memref<64x1024xi32, #tpu.memory_space<hbm>>
      tpu.wait_dma2 semaphore(%run_scoped3A : memref<!tpu.dma_semaphore, #tpu.memory_space<semaphore_mem>>) src(%arg11 : memref<64x1024xi32, #tpu.memory_space<vmem>>) dst(%dma_wait3A_189 : memref<64x1024xi32, #tpu.memory_space<hbm>>)
      tpu.yield
    }) : () -> ()
    %dma_wait3A_180 = tpu.memref_slice %arg6[%mul3A_2] : memref<1024xi32, #tpu.memory_space<hbm>> -> memref<64xi32, #tpu.memory_space<hbm>>
    %dma_wait3A_181 = tpu.memref_slice %arg6[%mul3A_2] : memref<1024xi32, #tpu.memory_space<hbm>> -> memref<64xi32, #tpu.memory_space<hbm>>
    tpu.wait_dma2 semaphore(%arg13 : memref<!tpu.dma_semaphore, #tpu.memory_space<semaphore_mem>>) src(%arg10 : memref<64xi32, #tpu.memory_space<vmem>>) dst(%dma_wait3A_181 : memref<64xi32, #tpu.memory_space<hbm>>)
    return
  }
}

module attributes {stable_mosaic.version = 14 : i64} {
  func.func @_mlp_body(%arg0: memref<1024x1024xi32, #tpu.memory_space<vmem>>, %arg1: memref<1024x1xi32, #tpu.memory_space<vmem>>, %arg2: memref<1024x1024xbf16, #tpu.memory_space<vmem>>, %arg3: memref<1024xbf16, #tpu.memory_space<vmem>>, %arg4: memref<256x1024xbf16, #tpu.memory_space<vmem>>, %arg5: memref<256xbf16, #tpu.memory_space<vmem>>, %arg6: memref<1x256xbf16, #tpu.memory_space<vmem>>, %arg7: memref<1xbf16, #tpu.memory_space<vmem>>, %arg8: memref<1024xf32, #tpu.memory_space<vmem>>, %arg9: memref<1x1xf32, #tpu.memory_space<smem>>, %arg10: memref<1024xf32, #tpu.memory_space<vmem>>) attributes {dimension_semantics = [], scalar_prefetch = 0 : i64, scratch_operands = 0 : i64, tpu.core_type = #tpu.core_type<tc>} {
    %get3A = arith.constant 0 : index
    %get3A_0 = arith.constant 0 : index
    %get3A_1 = vector.load %arg0[%get3A, %get3A_0] : memref<1024x1024xi32, #tpu.memory_space<vmem>>, vector<1024x1024xi32>
    %shift_left3A = arith.constant 16 : i32
    %shift_left3A_2 = vector.broadcast %shift_left3A : i32 to vector<1024x1024xi32>
    %shift_left3A_3 = arith.shli %get3A_1, %shift_left3A_2 : vector<1024x1024xi32>
    %bitcast_convert_type3A = tpu.bitcast %shift_left3A_3 : vector<1024x1024xi32> -> vector<1024x1024xf32>
    %and3A = arith.constant -65536 : i32
    %and3A_4 = vector.broadcast %and3A : i32 to vector<1024x1024xi32>
    %and3A_5 = arith.andi %get3A_1, %and3A_4 : vector<1024x1024xi32>
    %bitcast_convert_type3A_6 = tpu.bitcast %and3A_5 : vector<1024x1024xi32> -> vector<1024x1024xf32>
    %get3A_7 = arith.constant 0 : index
    %get3A_8 = arith.constant 0 : index
    %get3A_9 = vector.load %arg1[%get3A_7, %get3A_8] : memref<1024x1xi32, #tpu.memory_space<vmem>>, vector<1024x1xi32>
    %ne3A = arith.constant 0 : i32
    %ne3A_10 = vector.broadcast %ne3A : i32 to vector<1024x1xi32>
    %ne3A_11 = arith.cmpi ne, %get3A_9, %ne3A_10 : vector<1024x1xi32>
    %broadcast_in_dim3A = vector.shape_cast %ne3A_11 : vector<1024x1xi1> to vector<1024x1xi1>
    %broadcast_in_dim3A_12 = vector.broadcast %broadcast_in_dim3A : vector<1024x1xi1> to vector<1024x1024xi1>
    %select_n3A = arith.select %broadcast_in_dim3A_12, %bitcast_convert_type3A_6, %bitcast_convert_type3A : vector<1024x1024xi1>, vector<1024x1024xf32>
    %convert_element_type3A = arith.truncf %select_n3A : vector<1024x1024xf32> to vector<1024x1024xbf16>
    %get3A_13 = arith.constant 0 : index
    %get3A_14 = arith.constant 0 : index
    %get3A_15 = vector.load %arg2[%get3A_13, %get3A_14] : memref<1024x1024xbf16, #tpu.memory_space<vmem>>, vector<1024x1024xbf16>
    %dot_general3A = arith.constant dense<0.000000e+00> : vector<1024x1024xf32>
    %dot_general3A_16 = tpu.matmul %convert_element_type3A, %get3A_15, %dot_general3A {dimension_numbers = #tpu.dot_dimension_numbers<[1], [1], [0], [0], [0, 0, 1, 0], [], []>, transpose_lhs_hint = false} : vector<1024x1024xbf16>, vector<1024x1024xbf16>, vector<1024x1024xf32> -> vector<1024x1024xf32>
    %get3A_17 = arith.constant 0 : index
    %get3A_18 = vector.load %arg3[%get3A_17] : memref<1024xbf16, #tpu.memory_space<vmem>>, vector<1024xbf16>
    %convert_element_type3A_19 = arith.extf %get3A_18 : vector<1024xbf16> to vector<1024xf32>
    %broadcast_in_dim3A_20 = vector.shape_cast %convert_element_type3A_19 : vector<1024xf32> to vector<1x1024xf32>
    %add3A = vector.broadcast %broadcast_in_dim3A_20 : vector<1x1024xf32> to vector<1024x1024xf32>
    %add3A_21 = arith.addf %dot_general3A_16, %add3A : vector<1024x1024xf32>
    %convert_element_type3A_22 = arith.truncf %add3A_21 : vector<1024x1024xf32> to vector<1024x1024xbf16>
    %convert_element_type3A_23 = arith.extf %convert_element_type3A_22 : vector<1024x1024xbf16> to vector<1024x1024xf32>
    %tanh3A = math.tanh %convert_element_type3A_23 : vector<1024x1024xf32>
    %convert_element_type3A_24 = arith.truncf %tanh3A : vector<1024x1024xf32> to vector<1024x1024xbf16>
    %get3A_25 = arith.constant 0 : index
    %get3A_26 = arith.constant 0 : index
    %get3A_27 = vector.load %arg4[%get3A_25, %get3A_26] : memref<256x1024xbf16, #tpu.memory_space<vmem>>, vector<256x1024xbf16>
    %dot_general3A_28 = arith.constant dense<0.000000e+00> : vector<1024x256xf32>
    %dot_general3A_29 = tpu.matmul %convert_element_type3A_24, %get3A_27, %dot_general3A_28 {dimension_numbers = #tpu.dot_dimension_numbers<[1], [1], [0], [0], [0, 0, 1, 0], [], []>, transpose_lhs_hint = false} : vector<1024x1024xbf16>, vector<256x1024xbf16>, vector<1024x256xf32> -> vector<1024x256xf32>
    %get3A_30 = arith.constant 0 : index
    %get3A_31 = vector.load %arg5[%get3A_30] : memref<256xbf16, #tpu.memory_space<vmem>>, vector<256xbf16>
    %convert_element_type3A_32 = arith.extf %get3A_31 : vector<256xbf16> to vector<256xf32>
    %broadcast_in_dim3A_33 = vector.shape_cast %convert_element_type3A_32 : vector<256xf32> to vector<1x256xf32>
    %add3A_34 = vector.broadcast %broadcast_in_dim3A_33 : vector<1x256xf32> to vector<1024x256xf32>
    %add3A_35 = arith.addf %dot_general3A_29, %add3A_34 : vector<1024x256xf32>
    %convert_element_type3A_36 = arith.truncf %add3A_35 : vector<1024x256xf32> to vector<1024x256xbf16>
    %convert_element_type3A_37 = arith.extf %convert_element_type3A_36 : vector<1024x256xbf16> to vector<1024x256xf32>
    %tanh3A_38 = math.tanh %convert_element_type3A_37 : vector<1024x256xf32>
    %get3A_39 = arith.constant 0 : index
    %get3A_40 = arith.constant 0 : index
    %get3A_41 = vector.load %arg6[%get3A_39, %get3A_40] : memref<1x256xbf16, #tpu.memory_space<vmem>>, vector<1x256xbf16>
    %convert_element_type3A_42 = arith.extf %get3A_41 : vector<1x256xbf16> to vector<1x256xf32>
    %get3A_43 = arith.constant 0 : index
    %get3A_44 = vector.load %arg7[%get3A_43] : memref<1xbf16, #tpu.memory_space<vmem>>, vector<1xbf16>
    %convert_element_type3A_45 = arith.extf %get3A_44 : vector<1xbf16> to vector<1xf32>
    %squeeze3A = vector.shape_cast %convert_element_type3A_42 : vector<1x256xf32> to vector<256xf32>
    %broadcast_in_dim3A_46 = vector.shape_cast %squeeze3A : vector<256xf32> to vector<1x256xf32>
    %mul3A = vector.broadcast %broadcast_in_dim3A_46 : vector<1x256xf32> to vector<1024x256xf32>
    %mul3A_47 = arith.mulf %tanh3A_38, %mul3A : vector<1024x256xf32>
    %reduce_sum3A = arith.constant dense<0.000000e+00> : vector<1024xf32>
    %reduce_sum3A_48 = vector.multi_reduction <add>, %mul3A_47, %reduce_sum3A [1] : vector<1024x256xf32> to vector<1024xf32>
    %squeeze3A_49 = vector.extract %convert_element_type3A_45[0] : f32 from vector<1xf32>
    %add3A_50 = vector.broadcast %squeeze3A_49 : f32 to vector<1024xf32>
    %add3A_51 = arith.addf %reduce_sum3A_48, %add3A_50 : vector<1024xf32>
    %convert_element_type3A_52 = arith.truncf %add3A_51 : vector<1024xf32> to vector<1024xbf16>
    %convert_element_type3A_53 = arith.extf %convert_element_type3A_52 : vector<1024xbf16> to vector<1024xf32>
    %get3A_54 = arith.constant 0 : index
    %get3A_55 = vector.load %arg8[%get3A_54] : memref<1024xf32, #tpu.memory_space<vmem>>, vector<1024xf32>
    %max3A = arith.constant 0.000000e+00 : f32
    %max3A_56 = vector.broadcast %max3A : f32 to vector<1024xf32>
    %max3A_57 = arith.maximumf %convert_element_type3A_53, %max3A_56 : vector<1024xf32>
    %mul3A_58 = arith.mulf %convert_element_type3A_53, %get3A_55 : vector<1024xf32>
    %sub3A = arith.subf %max3A_57, %mul3A_58 : vector<1024xf32>
    %abs3A = math.absf %convert_element_type3A_53 : vector<1024xf32>
    %neg3A = arith.constant 0.000000e+00 : f32
    %neg3A_59 = vector.broadcast %neg3A : f32 to vector<1024xf32>
    %neg3A_60 = arith.subf %neg3A_59, %abs3A : vector<1024xf32>
    %exp3A = math.exp %neg3A_60 : vector<1024xf32>
    %add3A_61 = arith.constant 1.000000e+00 : f32
    %add3A_62 = vector.broadcast %add3A_61 : f32 to vector<1024xf32>
    %add3A_63 = arith.addf %add3A_62, %exp3A : vector<1024xf32>
    %log3A = math.log %add3A_63 : vector<1024xf32>
    %add3A_64 = arith.addf %sub3A, %log3A : vector<1024xf32>
    %reduce_sum3A_65 = vector.shape_cast %add3A_64 : vector<1024xf32> to vector<1x1024xf32>
    %reduce_sum3A_66 = arith.constant dense<0.000000e+00> : vector<1xf32>
    %reduce_sum3A_67 = vector.multi_reduction <add>, %reduce_sum3A_65, %reduce_sum3A_66 [1] : vector<1x1024xf32> to vector<1xf32>
    %reduce_sum3A_68 = vector.shape_cast %reduce_sum3A_67 : vector<1xf32> to vector<1x1xf32>
    %reduce_sum3A_69 = vector.extract %reduce_sum3A_68[0, 0] : f32 from vector<1x1xf32>
    %div3A = arith.constant 1.024000e+03 : f32
    %div3A_70 = arith.divf %reduce_sum3A_69, %div3A : f32
    %swap3A = arith.constant 0 : index
    %swap3A_71 = arith.constant 0 : index
    %swap3A_72 = memref.load %arg9[%swap3A, %swap3A_71] : memref<1x1xf32, #tpu.memory_space<smem>>
    memref.store %div3A_70, %arg9[%swap3A, %swap3A_71] : memref<1x1xf32, #tpu.memory_space<smem>>
    %swap3A_73 = arith.constant 0 : index
    %swap3A_74 = vector.load %arg10[%swap3A_73] : memref<1024xf32, #tpu.memory_space<vmem>>, vector<1024xf32>
    tpu.vector_store %arg10[%swap3A_73], %convert_element_type3A_53 {strides = array<i32>} : memref<1024xf32, #tpu.memory_space<vmem>>, vector<1024xf32>,
    return
  }
}

</mosaic_0001>

<sc_bundles>
// kernel: kernel.4.cloned.1.call-start
scs
__scs_entry_jumppad:
0x0: {  	(pc) =	sbr.rel $0x88, $3  }
0x1: {  	(tag) =	ssettag $0x0;
	lr =	simm.s32 $0x1  }
0x2: {  	[smem:$0x3F97] =	sst lr;
	_ =	strace $0xD0000000  }
0x3: {  	_ = 	snop  }
0x4: {  	_ = 	snop  }
0x5: {  	_ = 	snop  }
0x6: {  	_ = 	snop  }
0x7: {  	_ = 	snop  }
__scs_overlays_trampoline_lowered:
0x8: {  	[smem:$0x3FA6] =	sst s0  }
0x9: {  	[smem:$0x3FA7] =	sst s1  }
0xa: {  	[smem:$0x3FA8] =	sst s2  }
0xb: {  	[smem:$0x3FA9] =	sst s3  }
0xc: {  	[smem:$0x3FAA] =	sst s4  }
0xd: {  	[smem:$0x3FAB] =	sst s5  }
0xe: {  	[smem:$0x3FAC] =	sst s6  }
0xf: {  	[smem:$0x3FAD] =	sst s7  }
0x10: {  	[smem:$0x3FAE] =	sst s8  }
0x11: {  	[smem:$0x3FAF] =	sst s9;
	s0 =	simm.s32 @!p0 $0x0  }
0x12: {  	s1 =	sld [smem:$0x3F95];
	s0 =	simm.s32 @p0 $0x1  }
0x13: {  	[smem:$0x3FB0] =	sst s0;
	s0 =	simm.s32 @!p1 $0x0  }
0x14: {  	s2 =	sld [smem:$0x3F94];
	s0 =	simm.s32 @p1 $0x1  }
0x15: {  	[smem:$0x3FB1] =	sst s0;
	s0 =	simm.s32 @!p2 $0x0  }
0x16: {  	s3 =	sld [smem:$0x3FDB];
	s0 =	simm.s32 @p2 $0x1  }
0x17: {  	s4 =	simm.s32 $0x1BF5;
	[smem:$0x3FB3] =	sst s0  }
0x18: {  	s0 =	sld [smem:$0x3F96];
	_ =	swait.ge [sflag:s4], $0x0  }
0x19: {  	s7 =	sld [smem:$0x3F97]  }
0x1a: {  	s8 =	sadd.s32 $0xFFFFE003, lr  }
0x1b: {  	s9 =	sadd.s32 $0xFFFFFEF7, lr;
	s5 =	simm.s32 $0xFFFFFFFF;
	p2 =	slt.u32 s8, $0xFFFFF086  }
0x1c: {  	p1 =	slt.u32 s9, $0xF7A;
	s5 =	simm.s32 @!p2 $0x0  }
0x1d: {  	s5 =	simm.s32 @p1 $0x1;
	p0 =	seq.s32 s7, s2  }
0x1e: {  	s7 =	smul.u32 @!p0 $0xF7A, s2;
	p2 =	seq.s32 @!p0 s5, $0x0  }
0x1f: {  	s9 =	smul.u32 $0xF7A, s1;
	s8 =	simm.s32 @!p0 $0x1BF5;
	p2 =	por !p2, p0  }
0x20: {  	[sflag:s8] =	ssyncset.s32 @!p0 $0xFFFFF086;
	s6 =	sadd.s32 @!p0 s3, s7;
	s7 =	simm.s32 @!p0 $0x108  }
0x21: {  	s3 =	sadd.s32 s3, s9;
	s6 =	sadd.s32 @!p0 $0x88, s6;
	s7 =	simm.s32 @p2 $0x1082  }
0x22: {  	[simem:s7], [sflag:s8] =	dma.local @!p0 [hbm:s6], $0xF7A  }
0x23: {  	s9 =	sor.u32 $0xD0000000, s2;
	s6 =	simm.s32 $0x108;
	_ =	swait.ge @!p0 [sflag:s8], $0x0  }
0x24: {  	s3 =	sadd.s32 $0x88, s3;
	s6 =	simm.s32 @!p1 $0x1082;
	[sflag:s4] =	ssyncset.s32 $0xFFFFF086  }
0x25: {  	[simem:s6], [sflag:s4] =	dma.local [hbm:s3], $0xF7A  }
0x26: {  	[smem:$0x3F97] =	sst s1;
	(tag) =	ssettag s2;
	_ =	strace s9  }
0x27: {  	s1 =	sld [smem:$0x3FA7]  }
0x28: {  	s2 =	sld [smem:$0x3FA8]  }
0x29: {  	s4 =	sld [smem:$0x3FAA]  }
0x2a: {  	p0 =	seq.s32 s5, $0x0;
	s5 =	sld [smem:$0x3FAB]  }
0x2b: {  	s6 =	sld [smem:$0x3FAC]  }
0x2c: {  	s7 =	sld [smem:$0x3FAD]  }
0x2d: {  	s3 =	simm.s32 $0x108;
	s8 =	sld [smem:$0x3FAE]  }
0x2e: {  	s3 =	simm.s32 @!p0 $0x1082;
	s9 =	sld [smem:$0x3FAF]  }
0x2f: {  	lr =	sadd.s32 s0, s3;
	s0 =	sld [smem:$0x3FA6]  }
0x30: {  	s3 =	sld [smem:$0x3FA9]  }
0x31: {  	[smem:$0x3FB2] =	sst s10  }
0x32: {  	s10 =	sld [smem:$0x3FB0];
	_ =	sdelay $0x3  }
0x33: {  	p0 =	seq.s32 s10, $0x1;
	s10 =	sld [smem:$0x3FB2];
	_ =	sdelay $0x3  }
0x34: {  	[smem:$0x3FB2] =	sst s10  }
0x35: {  	s10 =	sld [smem:$0x3FB1];
	_ =	sdelay $0x3  }
0x36: {  	p1 =	seq.s32 s10, $0x1;
	s10 =	sld [smem:$0x3FB2];
	_ =	sdelay $0x3  }
0x37: {  	[smem:$0x3FB2] =	sst s10  }
0x38: {  	s10 =	sld [smem:$0x3FB3]  }
0x39: {  	_ = 	snop;
	(pc) =	sbr.ind lr, $3  }
0x3a: {  	_ = 	snop  }
0x3b: {  	_ = 	snop  }
0x3c: {  	p2 =	seq.s32 s10, $0x1;
	s10 =	sld [smem:$0x3FB2]  }
0x3d: {  	_ =	shalt  }
0x3e: {  	_ =	shalt  }
0x3f: {  	_ =	shalt  }
0x40: {  	_ =	shalt  }
0x41: {  	_ =	shalt  }
0x42: {  	_ =	shalt  }
0x43: {  	_ =	shalt  }
0x44: {  	_ =	shalt  }
0x45: {  	_ =	shalt  }
0x46: {  	_ =	shalt  }
0x47: {  	_ =	shalt  }
0x48: {  	_ =	shalt  }
0x49: {  	_ =	shalt  }
0x4a: {  	_ =	shalt  }
0x4b: {  	_ =	shalt  }
0x4c: {  	_ =	shalt  }
0x4d: {  	_ =	shalt  }
0x4e: {  	_ =	shalt  }
0x4f: {  	_ =	shalt  }
0x50: {  	_ =	shalt  }
0x51: {  	_ =	shalt  }
0x52: {  	_ =	shalt  }
0x53: {  	_ =	shalt  }
0x54: {  	_ =	shalt  }
0x55: {  	_ =	shalt  }
0x56: {  	_ =	shalt  }
0x57: {  	_ =	shalt  }
0x58: {  	_ =	shalt  }
0x59: {  	_ =	shalt  }
0x5a: {  	_ =	shalt  }
0x5b: {  	_ =	shalt  }
0x5c: {  	_ =	shalt  }
0x5d: {  	_ =	shalt  }
0x5e: {  	_ =	shalt  }
0x5f: {  	_ =	shalt  }
0x60: {  	_ =	shalt  }
0x61: {  	_ =	shalt  }
0x62: {  	_ =	shalt  }
0x63: {  	_ =	shalt  }
0x64: {  	_ =	shalt  }
0x65: {  	_ =	shalt  }
0x66: {  	_ =	shalt  }
0x67: {  	_ =	shalt  }
0x68: {  	_ =	shalt  }
0x69: {  	_ =	shalt  }
0x6a: {  	_ =	shalt  }
0x6b: {  	_ =	shalt  }
0x6c: {  	_ =	shalt  }
0x6d: {  	_ =	shalt  }
0x6e: {  	_ =	shalt  }
0x6f: {  	_ =	shalt  }
0x70: {  	_ =	shalt  }
0x71: {  	_ =	shalt  }
0x72: {  	_ =	shalt  }
0x73: {  	_ =	shalt  }
0x74: {  	_ =	shalt  }
0x75: {  	_ =	shalt  }
0x76: {  	_ =	shalt  }
0x77: {  	_ =	shalt  }
0x78: {  	_ =	shalt  }
0x79: {  	_ =	shalt  }
0x7a: {  	_ =	shalt  }
0x7b: {  	_ =	shalt  }
0x7c: {  	_ =	shalt  }
0x7d: {  	_ =	shalt  }
0x7e: {  	_ =	shalt  }
0x7f: {  	_ =	shalt  }
0x80: {  	_ =	shalt  }
0x81: {  	_ =	shalt  }
0x82: {  	_ =	shalt  }
0x83: {  	_ =	shalt  }
0x84: {  	_ =	shalt  }
0x85: {  	_ =	shalt  }
0x86: {  	_ =	shalt  }
0x87: {  	_ =	shalt  }
.Lfunc_end0:
.L_simem_size_0:
called_computation_lowered:
.L_overlay_start_0:
0x88: {  	s0 =	sld [smem:$0x3FD9]  }
0x89: {  	s1 =	sld [smem:$0x3FFE];
	_ =	sdelay $0x3  }
0x8a: {  	s0 =	sadd.s32 s1, s0  }
0x8b: {  	[smem:$0x3FBE] =	sst s0  }
0x8c: {  	_ = 	snop  }
0x8d: {  	s0 =	sld [smem:$0x3FD0];
	_ =	sdelay $0x2  }
0x8e: {  	s2 =	simm.s32 $0xA;
	s3 =	simm.s32 $0x10;
	s13 =	sld [smem:$0x3FC6]  }
0x8f: {  	[smem:s3], [sflag:s2] =	dma.local [hbm:s0], $0x1  }
0x90: {  	_ =	swait.eq [sflag:s2], $0x1  }
0x91: {  	[sflag:s2] =	ssyncset.done $0x0  }
0x92: {  	[sflag:s2] =	ssyncadd.s32 $0xFFFFFFFF  }
0x93: {  	s14 =	sld [smem:$0x11];
	(tm) =	ssettm $0x1  }
0x94: {  	s15 =	sld [smem:$0x3FFB];
	_ =	sdelay $0x3  }
0x95: {  	_ =	strace s15  }
0x96: {  	s2 =	sld [smem:$0x3FFC];
	_ =	sdelay $0x3  }
0x97: {  	_ =	strace s2  }
0x98: {  	s2 =	sld [smem:$0x3FFD];
	_ =	sdelay $0x3  }
0x99: {  	_ =	strace s2  }
0x9a: {  	_ =	strace $0x8FFFFFFF  }
0x9b: {  	s16 =	sld [smem:$0x3FDB];
	_ =	sdelay $0x1  }
0x9c: {  	s17 =	simm.s32 $_scs_section_size  }
0x9d: {  	s4 =	simm.s32 $_size__tile_overlayer_lowered;
	s5 =	simm.s32 $_tile_overlayer_lowered  }
0x9e: {  	s20 =	simm.s32 $0x1BFF;
	s19 =	sshll.u32 s5, $0x1;
	s2 =	sadd.s32 s17, s16  }
0x9f: {  	s6 =	simm.s32 $0x0;
	s18 =	sshll.u32 s4, $0x1;
	s4 =	sadd.s32 s19, s2  }
0xa0: {  	[timem:s6], [sflag:s20] =	dma.local [hbm:s4], s18  }
0xa1: {  	_ =	swait.ge [sflag:s20], s18  }
0xa2: {  	s3 =	ssub.s32 $0x0, s18;
	[sflag:s20] =	ssyncset.done $0x0  }
0xa3: {  	[sflag:s20] =	ssyncadd.s32 s3;
	_ =	sdelay $0x1  }
0xa4: {  	s21 =	simm.s32 $0x1B8B  }
0xa5: {  	_ =	swait.ge [sflag:s21], $0x1  }
0xa6: {  	[sflag:s21] =	ssyncset.done $0x0  }
0xa7: {  	s23 =	simm.s32 $0x1B8E;
	s22 =	sld [smem:$0x3FFE];
	[sflag:s21] =	ssyncadd.s32 $0xFFFFFFFF  }
0xa8: {  	s24 =	simm.s32 $execute0_lowered;
	[smem:$0x3FD2] =	sst s23  }
0xa9: {  	s4 =	sshll.u32 s24, $0x1;
	_ =	strace $0x80000046;
	[dreg:$0x1] =	wrdreg $0xFFFFFFFF  }
0xaa: {  	s25 =	simm.s32 $_size_execute0_lowered;
	s2 =	sadd.s32 s2, s4;
	[dreg:$0x0] =	wrdreg $0x0  }
0xab: {  	s4 =	sshll.u32 s25, $0x1;
	[dreg:$0x2] =	wrdreg s2  }
0xac: {  	[dreg:$0x3] =	wrdreg s4  }
0xad: {  	[dreg:$0x4] =	wrdreg $0xC0  }
0xae: {  	_ =	task [dreg:s6], $0x5FFFF  }
0xaf: {  	[dreg:$0x1] =	wrdreg $0xFFFFFFFF  }
0xb0: {  	[dreg:$0x0] =	wrdreg $0x60  }
0xb1: {  	[dreg:$0x2] =	wrdreg s22  }
0xb2: {  	[dreg:$0x3] =	wrdreg s13  }
0xb3: {  	[dreg:$0x4] =	wrdreg s14  }
0xb4: {  	[dreg:$0x5] =	wrdreg $0x9  }
0xb5: {  	_ =	task.clear_ibuf [dreg:s6], $0x6FFFF;
	_ =	strace $0x90000046  }
0xb6: {  	s26 =	simm.s32 $0x9;
	_ =	strace $0x80000048  }
0xb7: {  	_ =	swait.ge [sflag:s26], $0x1  }
0xb8: {  	[sflag:s26] =	ssyncadd.s32 $0xFFFFFFFF  }
0xb9: {  	_ =	strace $0x90000048  }
0xba: {  	_ =	sfence  }
0xbb: {  	s28 =	sld [smem:$0x0];
	_ =	sdelay $0x1  }
0xbc: {  	s29 =	srdreg.scid  }
0xbd: {  	s30 =	sshll.u32 s29, $0xD;
	s31 =	sshrl.u32 s29, $0x2  }
0xbe: {  	s1 =	sand.u32 $0x1, s29;
	s2 =	sand.u32 $0x4000, s30;
	s0 =	sadd.s32 s31, s28  }
0xbf: {  	s1 =	sor.u32 s2, s1;
	s0 =	sshll.u32 s0, $0x11  }
0xc0: {  	s0 =	sor.u32 s0, s1  }
0xc1: {  	s0 =	sadd.s32 $0x8F2B, s0  }
0xc2: {  	[sflag:s0] =	ssyncadd.remote.s32 $0x1  }
0xc3: {  	_ =	sfence.sel $0xFFFF  }
0xc4: {  	[dreg:$0x0] =	wrdreg $0xFFFFFFFF;
	(pc) =	sbr.abs _section_cstart, $3  }
0xc5: {  	[dreg:$0x1] =	wrdreg $0xFFFFFFFF  }
0xc6: {  	_ =	task.clear_ibuf [dreg:s6], $0x2FFFF;
	_ =	strace $0x9FFFFFFF  }
0xc7: {  	(tm) =	ssettm $0x7FFFFFFF  }
tec
execute0_lowered:
.L_overlay_start_1:
0x0: {  	(tag) =	ssettag $0x1  }
0x1: {  	s3 =	rddreg [dreg:$0x0];
	s0 =	stileid.u32  }
0x2: {  	s2 =	rddreg [dreg:$0x1];
	s5 =	smul.u32 $0x380, s0  }
0x3: {  	s4 =	rddreg [dreg:$0x2];
	s6 =	simm.s32 $0x0  }
0x4: {  	[smem:$0x7FF] =	sst s6;
	s5 =	sadd.s32 s5, s3  }
0x5: {  	s1 =	rddreg [dreg:$0x3];
	_ =	strace $0x80000047;
	s7 =	sadd.s32 $0x5200, s5  }
0x6: {  	[tilespmem:s6], [sflag:$0x1] =	stream.linear.gather [hbm4b:s7+s6], $0x1900, $0x38;
	[tilespmem:$0x13900] =	vst v63  }
0x7: {  	s28 =	simm.s32 $0x1C00;
	s29 =	simm.s32 $0x1;
	s5 =	sadd.s32 $0x1A00, s5  }
0x8: {  	[tilespmem:s28], [sflag:$0x2] =	stream.linear.gather [hbm4b:s5+s6], $0x1900, $0x38;
	[tilespmem:$0x13900] =	vst v63  }
0x9: {  	_ =	swait.ge [sflag:s29], $0x1900  }
0xa: {  	[sflag:s29] =	ssyncset.done $0x0  }
0xb: {  	s30 =	simm.s32 $0x2;
	[sflag:s29] =	ssyncadd.s32 $0xFFFFE700  }
0xc: {  	_ =	swait.ge [sflag:s30], $0x1900  }
0xd: {  	[sflag:s30] =	ssyncset.done $0x0  }
0xe: {  	s31 =	simm.s32 $0x0;
	[sflag:s30] =	ssyncadd.s32 $0xFFFFE700  }
0xf: {  	v0 =	vimm.s32 $0x0;
	s3 =	sadd.s32 $0x8A00, s3;
	s5 =	simm.s32 $0x200;
	v1 =	vld [tilespmem:s31+$0x1C00]  }
.LBB2_1:
0x10: {  	p0 =	sne.s32 s5, $0x6200  }
.Ltmp0:
0x11: {  	_ = 	snop;
	(pc) =	sbr.rel @p0 .LBB2_1-.Ltmp0, $3  }
0x12: {  	_ =	sdelay $0x1  }
0x13: {  	s6 =	sshra.s32 s5, $0x2;
	s5 =	sadd.s32 $0x200, s5;
	v0 =	vadd.s32 v0, v1  }
0x14: {  	v1 =	vld [tilespmem:s6+$0x1C00]  }
0x15: {  	_ =	sdelay $0x2  }
0x16: {  	s5 =	simm.s32 $0x0  }
0x17: {  	v2 =	vld [tilespmem:s5+$0x0];
	v0 =	vadd.s32 v0, v1  }
0x18: {  	v0 =	vadd.s32 $0xFFFFFFFF, v0  }
0x19: {  	vm0 =	vgt.s32 v0, $0x0  }
0x1a: {  	v0 =	vnsel vm0, $0x0, v0  }
0x1b: {  	vm0 =	veq.s32 v0, s5  }
0x1c: {  	s6 =	simm.s32 $0x80;
	v1 =	vimm.s32 $0x0;
	s5 =	simm.s32 $0x1;
	v2 =	vnsel vm0, $0x0, v2  }
.LBB2_3:
0x1d: {  	v3 =	vld [tilespmem:s6+$0x0];
	p0 =	sne.s32 s5, $0x31;
	v1 =	vadd.s32 v1, v2;
	s7 =	smov.u32 s5;
	s5 =	sadd.s32 $0x1, s5  }
.Ltmp1:
0x1e: {  	(pc) =	sbr.rel @p0 .LBB2_3-.Ltmp1, $3  }
0x1f: {  	_ =	sdelay $0x1  }
0x20: {  	vm0 =	veq.s32 v0, s7  }
0x21: {  	s6 =	sadd.s32 $0x80, s6;
	v2 =	vnsel vm0, $0x0, v3  }
0x22: {  	v0 =	vadd.s32 v1, v2  }
0x23: {  	v1 =	vshra.s32 v0, $0x1  }
0x24: {  	v0 =	vand.u32 $0x1, v0;
	[tilespmem:$0x3800] =	vst v1  }
0x25: {  	s6 =	simm.s32 $0x10;
	[tilespmem:$0x3880] =	vst v0  }
0x26: {  	s5 =	simm.s32 $0x240;
	v0 =	vimm.s32 $0x0;
	v1 =	vld [tilespmem:s6+$0x1C00]  }
.LBB2_5:
0x27: {  	p0 =	sne.s32 s5, $0x6240  }
.Ltmp2:
0x28: {  	_ = 	snop;
	(pc) =	sbr.rel @p0 .LBB2_5-.Ltmp2, $3  }
0x29: {  	_ =	sdelay $0x1  }
0x2a: {  	s6 =	sshra.s32 s5, $0x2;
	s5 =	sadd.s32 $0x200, s5;
	v0 =	vadd.s32 v0, v1  }
0x2b: {  	v1 =	vld [tilespmem:s6+$0x1C00]  }
0x2c: {  	_ =	sdelay $0x2  }
0x2d: {  	s5 =	simm.s32 $0x10  }
0x2e: {  	v2 =	vld [tilespmem:s5+$0x0];
	v0 =	vadd.s32 v0, v1  }
0x2f: {  	v0 =	vadd.s32 $0xFFFFFFFF, v0  }
0x30: {  	vm0 =	vgt.s32 v0, $0x0  }
0x31: {  	s31 =	simm.s32 $0x0;
	v0 =	vnsel vm0, $0x0, v0  }
0x32: {  	vm0 =	veq.s32 v0, s31  }
0x33: {  	s6 =	simm.s32 $0x90;
	s5 =	simm.s32 $0x1;
	v1 =	vimm.s32 $0x0;
	v2 =	vnsel vm0, $0x0, v2  }
.LBB2_7:
0x34: {  	v3 =	vld [tilespmem:s6+$0x0];
	p0 =	sne.s32 s5, $0x31;
	v1 =	vadd.s32 v1, v2;
	s7 =	smov.u32 s5;
	s5 =	sadd.s32 $0x1, s5  }
.Ltmp3:
0x35: {  	(pc) =	sbr.rel @p0 .LBB2_7-.Ltmp3, $3  }
0x36: {  	_ =	sdelay $0x1  }
0x37: {  	vm0 =	veq.s32 v0, s7  }
0x38: {  	s6 =	sadd.s32 $0x80, s6;
	v2 =	vnsel vm0, $0x0, v3  }
0x39: {  	v0 =	vadd.s32 v1, v2  }
0x3a: {  	v1 =	vshra.s32 v0, $0x1  }
0x3b: {  	v0 =	vand.u32 $0x1, v0;
	[tilespmem:$0x3810] =	vst v1  }
0x3c: {  	s6 =	simm.s32 $0x20;
	[tilespmem:$0x3890] =	vst v0  }
0x3d: {  	s5 =	simm.s32 $0x280;
	v0 =	vimm.s32 $0x0;
	v1 =	vld [tilespmem:s6+$0x1C00]  }
.LBB2_9:
0x3e: {  	p0 =	sne.s32 s5, $0x6280  }
.Ltmp4:
0x3f: {  	_ = 	snop;
	(pc) =	sbr.rel @p0 .LBB2_9-.Ltmp4, $3  }
0x40: {  	_ =	sdelay $0x1  }
0x41: {  	s6 =	sshra.s32 s5, $0x2;
	s5 =	sadd.s32 $0x200, s5;
	v0 =	vadd.s32 v0, v1  }
0x42: {  	v1 =	vld [tilespmem:s6+$0x1C00]  }
0x43: {  	_ =	sdelay $0x2  }
0x44: {  	s5 =	simm.s32 $0x20  }
0x45: {  	v2 =	vld [tilespmem:s5+$0x0];
	v0 =	vadd.s32 v0, v1  }
0x46: {  	v0 =	vadd.s32 $0xFFFFFFFF, v0  }
0x47: {  	vm0 =	vgt.s32 v0, $0x0  }
0x48: {  	s31 =	simm.s32 $0x0;
	v0 =	vnsel vm0, $0x0, v0  }
0x49: {  	vm0 =	veq.s32 v0, s31  }
0x4a: {  	s6 =	simm.s32 $0xA0;
	s5 =	simm.s32 $0x1;
	v1 =	vimm.s32 $0x0;
	v2 =	vnsel vm0, $0x0, v2  }
.LBB2_11:
0x4b: {  	v3 =	vld [tilespmem:s6+$0x0];
	p0 =	sne.s32 s5, $0x31;
	v1 =	vadd.s32 v1, v2;
	s7 =	smov.u32 s5;
	s5 =	sadd.s32 $0x1, s5  }
.Ltmp5:
0x4c: {  	(pc) =	sbr.rel @p0 .LBB2_11-.Ltmp5, $3  }
0x4d: {  	_ =	sdelay $0x1  }
0x4e: {  	vm0 =	veq.s32 v0, s7  }
0x4f: {  	s6 =	sadd.s32 $0x80, s6;
	v2 =	vnsel vm0, $0x0, v3  }
0x50: {  	v0 =	vadd.s32 v1, v2  }
0x51: {  	v1 =	vshra.s32 v0, $0x1  }
0x52: {  	v0 =	vand.u32 $0x1, v0;
	[tilespmem:$0x3820] =	vst v1  }
0x53: {  	s6 =	simm.s32 $0x30;
	[tilespmem:$0x38A0] =	vst v0  }
0x54: {  	s5 =	simm.s32 $0x2C0;
	v0 =	vimm.s32 $0x0;
	v1 =	vld [tilespmem:s6+$0x1C00]  }
.LBB2_13:
0x55: {  	p0 =	sne.s32 s5, $0x62C0  }
.Ltmp6:
0x56: {  	_ = 	snop;
	(pc) =	sbr.rel @p0 .LBB2_13-.Ltmp6, $3  }
0x57: {  	_ =	sdelay $0x1  }
0x58: {  	s6 =	sshra.s32 s5, $0x2;
	s5 =	sadd.s32 $0x200, s5;
	v0 =	vadd.s32 v0, v1  }
0x59: {  	v1 =	vld [tilespmem:s6+$0x1C00]  }
0x5a: {  	_ =	sdelay $0x2  }
0x5b: {  	s5 =	simm.s32 $0x30  }
0x5c: {  	v2 =	vld [tilespmem:s5+$0x0];
	v0 =	vadd.s32 v0, v1  }
0x5d: {  	v0 =	vadd.s32 $0xFFFFFFFF, v0  }
0x5e: {  	vm0 =	vgt.s32 v0, $0x0  }
0x5f: {  	s31 =	simm.s32 $0x0;
	v0 =	vnsel vm0, $0x0, v0  }
0x60: {  	vm0 =	veq.s32 v0, s31  }
0x61: {  	s6 =	simm.s32 $0xB0;
	s5 =	simm.s32 $0x1;
	v1 =	vimm.s32 $0x0;
	v2 =	vnsel vm0, $0x0, v2  }
.LBB2_15:
0x62: {  	v3 =	vld [tilespmem:s6+$0x0];
	p0 =	sne.s32 s5, $0x31;
	v1 =	vadd.s32 v1, v2;
	s7 =	smov.u32 s5;
	s5 =	sadd.s32 $0x1, s5  }
.Ltmp7:
0x63: {  	(pc) =	sbr.rel @p0 .LBB2_15-.Ltmp7, $3  }
0x64: {  	_ =	sdelay $0x1  }
0x65: {  	vm0 =	veq.s32 v0, s7  }
0x66: {  	s6 =	sadd.s32 $0x80, s6;
	v2 =	vnsel vm0, $0x0, v3  }
0x67: {  	v0 =	vadd.s32 v1, v2  }
0x68: {  	v1 =	vshra.s32 v0, $0x1  }
0x69: {  	s5 =	sshll.u32 s0, $0x3;
	v0 =	vand.u32 $0x1, v0;
	[tilespmem:$0x3830] =	vst v1  }
0x6a: {  	s6 =	simm.s32 $0x3880;
	s5 =	sadd.s32 s4, s5;
	s4 =	simm.s32 $0x0;
	[tilespmem:$0x38B0] =	vst v0  }
0x6b: {  	[hbm4b:s5+s4] =	stream.linear.scatter [tilespmem:s6], [sflag:$0x2], $0x40, $0x38;
	[tilespmem:$0x13900] =	vst v63  }
0x6c: {  	v57 =	vld [tilespmem:$0x3800];
	_ =	sdelay $0x4  }
0x6d: {  	v58 =	vshll.u32 v57, $0x3  }
0x6e: {  	v59 =	vlaneseq.u32;
	v0 =	vand.u32 $0x3, v57;
	v1 =	vand.u32 $0xFFFFFFE0, v58  }
0x6f: {  	v60 =	vand.u32 $0x7, v59;
	v3 =	vshrl.u32 v59, $0x3;
	v0 =	vor.u32 v0, v1  }
0x70: {  	v3 =	vmul.u32 $0x4, v3;
	v4 =	vperm.xlane v0, v60;
	_ =	sdelay $0x1  }
0x71: {  	v4 =	vadd.s32 v3, v4;
	_ =	sdelay $0x3  }
0x72: {  	vm0 =	vmmov $0xffff;
	s5 =	simm.s32 $0x3900  }
0x73: {  	v2 =	vor.u32 $0x8, v59;
	[tilespmem:s5], [sflag:$0x1] =	stream.indirect_vreg.gather [hbm4b:s2+s4], $0x80, v4, vm0, $0xb8;
	[tilespmem:$0x13900] =	vst v63  }
0x74: {  	s7 =	simm.s32 $0x4100;
	s6 =	sadd.s32 $0x80, s2;
	v0 =	vperm.xlane v0, v2  }
0x75: {  	[tilespmem:s7], [sflag:$0x1] =	stream.indirect_vreg.gather [hbm4b:s6+s4], $0x80, v4, vm0, $0xb8;
	[tilespmem:$0x13900] =	vst v63  }
0x76: {  	s8 =	simm.s32 $0x4900;
	v0 =	vadd.s32 v3, v0;
	s7 =	sadd.s32 $0x100, s2  }
0x77: {  	[tilespmem:s8], [sflag:$0x1] =	stream.indirect_vreg.gather [hbm4b:s7+s4], $0x80, v4, vm0, $0xb8;
	[tilespmem:$0x13900] =	vst v63  }
0x78: {  	s9 =	simm.s32 $0x5100;
	s8 =	sadd.s32 $0x180, s2  }
0x79: {  	[tilespmem:s9], [sflag:$0x1] =	stream.indirect_vreg.gather [hbm4b:s8+s4], $0x80, v4, vm0, $0xb8;
	[tilespmem:$0x13900] =	vst v63  }
0x7a: {  	s20 =	simm.s32 $0x5900  }
0x7b: {  	[tilespmem:s20], [sflag:$0x1] =	stream.indirect_vreg.gather [hbm4b:s2+s4], $0x80, v0, vm0, $0xb8;
	[tilespmem:$0x13900] =	vst v63  }
0x7c: {  	s21 =	simm.s32 $0x6100  }
0x7d: {  	[tilespmem:s21], [sflag:$0x1] =	stream.indirect_vreg.gather [hbm4b:s6+s4], $0x80, v0, vm0, $0xb8;
	[tilespmem:$0x13900] =	vst v63  }
0x7e: {  	s22 =	simm.s32 $0x6900  }
0x7f: {  	[tilespmem:s22], [sflag:$0x1] =	stream.indirect_vreg.gather [hbm4b:s7+s4], $0x80, v0, vm0, $0xb8;
	[tilespmem:$0x13900] =	vst v63  }
0x80: {  	s23 =	simm.s32 $0x7100  }
0x81: {  	[tilespmem:s23], [sflag:$0x1] =	stream.indirect_vreg.gather [hbm4b:s8+s4], $0x80, v0, vm0, $0xb8;
	[tilespmem:$0x13900] =	vst v63  }
0x82: {  	v0 =	vld [tilespmem:$0x3810];
	_ =	sdelay $0x4  }
0x83: {  	v61 =	vshll.u32 v0, $0x3  }
0x84: {  	v0 =	vand.u32 $0x3, v0;
	v4 =	vand.u32 $0xFFFFFFE0, v61  }
0x85: {  	v0 =	vor.u32 v0, v4  }
0x86: {  	v4 =	vperm.xlane v0, v60;
	_ =	sdelay $0x1  }
0x87: {  	v4 =	vadd.s32 v3, v4;
	_ =	sdelay $0x3  }
0x88: {  	s24 =	simm.s32 $0x7900  }
0x89: {  	[tilespmem:s24], [sflag:$0x1] =	stream.indirect_vreg.gather [hbm4b:s2+s4], $0x80, v4, vm0, $0xb8;
	[tilespmem:$0x13900] =	vst v63  }
0x8a: {  	s25 =	simm.s32 $0x8100;
	v0 =	vperm.xlane v0, v2  }
0x8b: {  	[tilespmem:s25], [sflag:$0x1] =	stream.indirect_vreg.gather [hbm4b:s6+s4], $0x80, v4, vm0, $0xb8;
	[tilespmem:$0x13900] =	vst v63  }
0x8c: {  	s26 =	simm.s32 $0x8900;
	v0 =	vadd.s32 v3, v0  }
0x8d: {  	[tilespmem:s26], [sflag:$0x1] =	stream.indirect_vreg.gather [hbm4b:s7+s4], $0x80, v4, vm0, $0xb8;
	[tilespmem:$0x13900] =	vst v63  }
0x8e: {  	s28 =	simm.s32 $0x9100  }
0x8f: {  	[tilespmem:s28], [sflag:$0x1] =	stream.indirect_vreg.gather [hbm4b:s8+s4], $0x80, v4, vm0, $0xb8;
	[tilespmem:$0x13900] =	vst v63  }
0x90: {  	s29 =	simm.s32 $0x9900  }
0x91: {  	[tilespmem:s29], [sflag:$0x1] =	stream.indirect_vreg.gather [hbm4b:s2+s4], $0x80, v0, vm0, $0xb8;
	[tilespmem:$0x13900] =	vst v63  }
0x92: {  	s30 =	simm.s32 $0xA100  }
0x93: {  	[tilespmem:s30], [sflag:$0x1] =	stream.indirect_vreg.gather [hbm4b:s6+s4], $0x80, v0, vm0, $0xb8;
	[tilespmem:$0x13900] =	vst v63  }
0x94: {  	s31 =	simm.s32 $0xA900  }
0x95: {  	[tilespmem:s31], [sflag:$0x1] =	stream.indirect_vreg.gather [hbm4b:s7+s4], $0x80, v0, vm0, $0xb8;
	[tilespmem:$0x13900] =	vst v63  }
0x96: {  	s10 =	simm.s32 $0xB100  }
0x97: {  	[tilespmem:s10], [sflag:$0x1] =	stream.indirect_vreg.gather [hbm4b:s8+s4], $0x80, v0, vm0, $0xb8;
	[tilespmem:$0x13900] =	vst v63  }
0x98: {  	v0 =	vld [tilespmem:$0x3820];
	_ =	sdelay $0x4  }
0x99: {  	v62 =	vshll.u32 v0, $0x3  }
0x9a: {  	v0 =	vand.u32 $0x3, v0;
	v4 =	vand.u32 $0xFFFFFFE0, v62  }
0x9b: {  	v0 =	vor.u32 v0, v4  }
0x9c: {  	v4 =	vperm.xlane v0, v60;
	_ =	sdelay $0x1  }
0x9d: {  	v4 =	vadd.s32 v3, v4;
	_ =	sdelay $0x3  }
0x9e: {  	s11 =	simm.s32 $0xB900  }
0x9f: {  	[tilespmem:s11], [sflag:$0x1] =	stream.indirect_vreg.gather [hbm4b:s2+s4], $0x80, v4, vm0, $0xb8;
	[tilespmem:$0x13900] =	vst v63  }
0xa0: {  	s12 =	simm.s32 $0xC100;
	v0 =	vperm.xlane v0, v2  }
0xa1: {  	[tilespmem:s12], [sflag:$0x1] =	stream.indirect_vreg.gather [hbm4b:s6+s4], $0x80, v4, vm0, $0xb8;
	[tilespmem:$0x13900] =	vst v63  }
0xa2: {  	s13 =	simm.s32 $0xC900;
	v0 =	vadd.s32 v3, v0  }
0xa3: {  	[tilespmem:s13], [sflag:$0x1] =	stream.indirect_vreg.gather [hbm4b:s7+s4], $0x80, v4, vm0, $0xb8;
	[tilespmem:$0x13900] =	vst v63  }
0xa4: {  	s14 =	simm.s32 $0xD100  }
0xa5: {  	[tilespmem:s14], [sflag:$0x1] =	stream.indirect_vreg.gather [hbm4b:s8+s4], $0x80, v4, vm0, $0xb8;
	[tilespmem:$0x13900] =	vst v63  }
0xa6: {  	s15 =	simm.s32 $0xD900  }
0xa7: {  	[tilespmem:s15], [sflag:$0x1] =	stream.indirect_vreg.gather [hbm4b:s2+s4], $0x80, v0, vm0, $0xb8;
	[tilespmem:$0x13900] =	vst v63  }
0xa8: {  	s16 =	simm.s32 $0xE100  }
0xa9: {  	[tilespmem:s16], [sflag:$0x1] =	stream.indirect_vreg.gather [hbm4b:s6+s4], $0x80, v0, vm0, $0xb8;
	[tilespmem:$0x13900] =	vst v63  }
0xaa: {  	s17 =	simm.s32 $0xE900  }
0xab: {  	[tilespmem:s17], [sflag:$0x1] =	stream.indirect_vreg.gather [hbm4b:s7+s4], $0x80, v0, vm0, $0xb8;
	[tilespmem:$0x13900] =	vst v63  }
0xac: {  	s18 =	simm.s32 $0xF100  }
0xad: {  	[tilespmem:s18], [sflag:$0x1] =	stream.indirect_vreg.gather [hbm4b:s8+s4], $0x80, v0, vm0, $0xb8;
	[tilespmem:$0x13900] =	vst v63  }
0xae: {  	v0 =	vld [tilespmem:$0x3830];
	_ =	sdelay $0x4  }
0xaf: {  	v63 =	vshll.u32 v0, $0x3  }
0xb0: {  	v0 =	vand.u32 $0x3, v0;
	v4 =	vand.u32 $0xFFFFFFE0, v63  }
0xb1: {  	v0 =	vor.u32 v0, v4  }
0xb2: {  	v1 =	vperm.xlane v0, v60;
	_ =	sdelay $0x1  }
0xb3: {  	v1 =	vadd.s32 v3, v1;
	_ =	sdelay $0x3  }
0xb4: {  	s19 =	simm.s32 $0xF900  }
0xb5: {  	[tilespmem:s19], [sflag:$0x1] =	stream.indirect_vreg.gather [hbm4b:s2+s4], $0x80, v1, vm0, $0xb8;
	[tilespmem:$0x13900] =	vst v63  }
0xb6: {  	s20 =	simm.s32 $0x10100;
	v0 =	vperm.xlane v0, v2  }
0xb7: {  	[tilespmem:s20], [sflag:$0x1] =	stream.indirect_vreg.gather [hbm4b:s6+s4], $0x80, v1, vm0, $0xb8;
	[tilespmem:$0x13900] =	vst v63  }
0xb8: {  	s21 =	simm.s32 $0x10900;
	v0 =	vadd.s32 v3, v0  }
0xb9: {  	[tilespmem:s21], [sflag:$0x1] =	stream.indirect_vreg.gather [hbm4b:s7+s4], $0x80, v1, vm0, $0xb8;
	[tilespmem:$0x13900] =	vst v63  }
0xba: {  	s22 =	simm.s32 $0x11100  }
0xbb: {  	[tilespmem:s22], [sflag:$0x1] =	stream.indirect_vreg.gather [hbm4b:s8+s4], $0x80, v1, vm0, $0xb8;
	[tilespmem:$0x13900] =	vst v63  }
0xbc: {  	s23 =	simm.s32 $0x11900  }
0xbd: {  	[tilespmem:s23], [sflag:$0x1] =	stream.indirect_vreg.gather [hbm4b:s2+s4], $0x80, v0, vm0, $0xb8;
	[tilespmem:$0x13900] =	vst v63  }
0xbe: {  	s24 =	simm.s32 $0x12100  }
0xbf: {  	[tilespmem:s24], [sflag:$0x1] =	stream.indirect_vreg.gather [hbm4b:s6+s4], $0x80, v0, vm0, $0xb8;
	[tilespmem:$0x13900] =	vst v63  }
0xc0: {  	s25 =	simm.s32 $0x12900  }
0xc1: {  	[tilespmem:s25], [sflag:$0x1] =	stream.indirect_vreg.gather [hbm4b:s7+s4], $0x80, v0, vm0, $0xb8;
	[tilespmem:$0x13900] =	vst v63  }
0xc2: {  	s26 =	simm.s32 $0x13100;
	s28 =	simm.s32 $0x1  }
0xc3: {  	[tilespmem:s26], [sflag:$0x1] =	stream.indirect_vreg.gather [hbm4b:s8+s4], $0x80, v0, vm0, $0xb8;
	[tilespmem:$0x13900] =	vst v63  }
0xc4: {  	_ =	swait.ge [sflag:s28], $0x10000  }
0xc5: {  	s29 =	sshll.u32 s0, $0xD;
	[sflag:s28] =	ssyncset.done $0x0  }
0xc6: {  	s3 =	sadd.s32 s3, s29;
	s30 =	simm.s32 $0x3;
	[sflag:s28] =	ssyncadd.s32 $0xFFFF0000  }
0xc7: {  	[hbm4b:s3+s4] =	stream.linear.scatter [tilespmem:s5], [sflag:$0x3], $0x10000, $0x38;
	[tilespmem:$0x13900] =	vst v63  }
0xc8: {  	_ =	swait.ge [sflag:s30], $0x10000  }
0xc9: {  	[sflag:s30] =	ssyncset.done $0x0  }
0xca: {  	s31 =	simm.s32 $0x2;
	[sflag:s30] =	ssyncadd.s32 $0xFFFF0000  }
0xcb: {  	_ =	swait.ge [sflag:s31], $0x40  }
0xcc: {  	[sflag:s31] =	ssyncset.done $0x0  }
0xcd: {  	[sflag:s31] =	ssyncadd.s32 $0xFFFFFFC0  }
0xce: {  	_ =	sfence.sel $0x180000  }
0xcf: {  	[bflag:$0x0] =	sbarrier.arrive $0xFFFF  }
0xd0: {  	p0 =	sne.s32 s0, $0x0;
	_ =	strace $0x90000047  }
0xd1: {  	s0 =	sadd.s32 @!p0 $0x100000, s1;
	[bflag:$0x2] =	sbarrier.arrive $0xFFFF  }
0xd2: {  	[sflag:s0] =	ssyncadd.tile.s32 @!p0 $0x1;
	_ =	shalt  }
.Lfunc_end2:
_tile_overlayer_lowered:
.L_overlay_start_2:
0xd3: {  	(tag) =	ssettag $0x2  }
0xd4: {  	s0 =	rddreg [dreg:$0x0];
	s2 =	stileid.u32  }
0xd5: {  	s1 =	rddreg [dreg:$0x1];
	p0 =	sne.s32 s2, $0x0  }
0xd6: {  	s3 =	rddreg [dreg:$0x2];
	[bflag:$0x3] =	sbarrier.arrive $0xFFFF;
	s2 =	simm.s32 @!p0 $0x1C03  }
0xd7: {  	[timem:s3], [sflag:s2] =	dma.local @!p0 [hbm:s0], s1  }
0xd8: {  	s0 =	simm.s32 @!p0 $0x3  }
0xd9: {  	_ =	swait.ge @!p0 [sflag:s0], s1  }
0xda: {  	s1 =	ssub.s32 @!p0 $0x0, s1;
	[sflag:s0] =	ssyncset.done @!p0 $0x0  }
0xdb: {  	[sflag:s0] =	ssyncadd.s32 @!p0 s1  }
0xdc: {  	[bflag:$0x3] =	sbarrier.arrive $0xFFFF  }
0xdd: {  	_ =	shalt  }

</sc_bundles>
